<compile_context>
chip_gen: v7x
topology: tpu7x:2x2x1
jax: 0.10.2.dev20260603
libtpu: 0.0.44.dev20260713+nightly
codegen_flags: <defaults>
</compile_context>

<pallas_src>
import functools

import jax
import jax.numpy as jnp
from jax import lax
from jax.experimental import pallas as pl
from jax.experimental.pallas import tpu as pltpu
from jax.experimental.pallas import tpu_sc as plsc

VOCAB = 1000
NUM_TOK = 1024 * 50

_info = plsc.get_sparse_core_info()
_NC, _NS, _L = _info.num_cores, _info.num_subcores, _info.num_lanes
_NW = _NC * _NS
_TOK_PER_W = NUM_TOK // _NW
_GFLIGHT = 2

_BLK = 2048
_NBLK = NUM_TOK // _BLK
_SUB = 512


def _lse_body(table_ref, lse_ref):
    t = table_ref[...]
    m = jnp.max(t, axis=1)
    s = jnp.sum(jnp.exp(t - m[:, None]), axis=1)
    lse_ref[...] = m + jnp.log(s)


def _mean_body(p_ref, o_ref):
    o_ref[...] = jnp.sum(p_ref[...]).reshape(1, 1) * (1.0 / NUM_TOK)


def _loss_sc_body(tab16_hbm, inp_hbm, lab_hbm, lse_hbm,
                  part_hbm,
                  idx_v, lab_v, vals_v, lse_v, pbuf_v, sem):
    wid = lax.axis_index("s") * _NC + lax.axis_index("c")
    base = wid * _TOK_PER_W

    pltpu.sync_copy(inp_hbm.at[pl.ds(base, _TOK_PER_W)], idx_v)
    pltpu.sync_copy(lab_hbm.at[pl.ds(base, _TOK_PER_W)], lab_v)
    pltpu.sync_copy(lse_hbm, lse_v)

    def gdesc(g):
        inps = idx_v[pl.ds(g * _L, _L)]
        labs = lab_v[pl.ds(g * _L, _L)]
        p = inps * VOCAB + labs
        return pltpu.make_async_copy(
            tab16_hbm.at[lax.shift_right_logical(p, 4)],
            vals_v.at[pl.ds(g * _L, _L)], sem)

    def fire_round(r, _):
        for b in range(_GFLIGHT):
            gdesc(r * _GFLIGHT + b).start()
        for b in range(_GFLIGHT):
            gdesc(r * _GFLIGHT + b).wait()
        return 0

    lax.fori_loop(0, (_TOK_PER_W // _L) // _GFLIGHT, fire_round, 0)

    lane = lax.iota(jnp.int32, _L)

    def acc_body(i, acc):
        inps = idx_v[pl.ds(i * _L, _L)]
        labs = lab_v[pl.ds(i * _L, _L)]
        off = lax.bitwise_and(inps * VOCAB + labs, 15)
        lsev = plsc.load_gather(lse_v, [inps])
        xval = plsc.load_gather(vals_v, [lane + i * _L, off])
        return acc + (lsev - xval)

    acc = lax.fori_loop(0, _TOK_PER_W // _L, acc_body,
                        jnp.zeros((_L,), jnp.float32))
    pbuf_v[...] = acc
    pltpu.sync_copy(pbuf_v, part_hbm.at[wid])


def _logits_body(inp_ref, tabT_ref, out_ref):
    tabT = tabT_ref[...]
    vocab_iota = lax.broadcasted_iota(jnp.int16, (VOCAB, _SUB), 0)
    for s in range(_BLK // _SUB):
        idx = inp_ref[0, 0, pl.ds(s * _SUB, _SUB)]
        onehotT = jnp.where(vocab_iota == idx[None, :],
                            jnp.bfloat16(1), jnp.bfloat16(0))
        out_ref[:, pl.ds(s * _SUB, _SUB)] = jnp.dot(
            tabT, onehotT, preferred_element_type=jnp.float32)


@jax.jit
def kernel(inputs, labels, table):
    inp_flat = inputs.reshape(-1).astype(jnp.int32)
    inp_perm = inputs.T.reshape(-1).astype(jnp.int32)
    lab_perm = labels.T.reshape(-1).astype(jnp.int32)
    table = table.astype(jnp.float32)
    tab16 = table.reshape(VOCAB * VOCAB // 16, 16)

    lse = pl.pallas_call(
        _lse_body,
        out_shape=jax.ShapeDtypeStruct((VOCAB,), jnp.float32),
    )(table)

    mesh = plsc.VectorSubcoreMesh(core_axis_name="c", subcore_axis_name="s")
    loss_sc = functools.partial(
        pl.kernel,
        mesh=mesh,
        compiler_params=pltpu.CompilerParams(
            needs_layout_passes=False, use_tc_tiling_on_sc=False
        ),
        out_type=jax.ShapeDtypeStruct((_NW, _L), jnp.float32),
        scratch_types=[
            pltpu.VMEM((_TOK_PER_W,), jnp.int32),
            pltpu.VMEM((_TOK_PER_W,), jnp.int32),
            pltpu.VMEM((_TOK_PER_W, 16), jnp.float32),
            pltpu.VMEM((VOCAB,), jnp.float32),
            pltpu.VMEM((_L,), jnp.float32),
            pltpu.SemaphoreType.DMA,
        ],
    )(_loss_sc_body)
    partials = loss_sc(tab16, inp_perm, lab_perm, lse)

    inp_3d = inp_flat.astype(jnp.int16).reshape(_NBLK, 1, _BLK)
    logits_t = pl.pallas_call(
        _logits_body,
        grid=(_NBLK,),
        in_specs=[
            pl.BlockSpec((1, 1, _BLK), lambda i: (i, 0, 0)),
            pl.BlockSpec((VOCAB, VOCAB), lambda i: (0, 0)),
        ],
        out_specs=pl.BlockSpec((VOCAB, _BLK), lambda i: (0, i)),
        out_shape=jax.ShapeDtypeStruct((VOCAB, NUM_TOK), jnp.float32),
    )(inp_3d, table.astype(jnp.bfloat16).T)
    logits = logits_t.T

    loss = pl.pallas_call(
        _mean_body,
        out_shape=jax.ShapeDtypeStruct((1, 1), jnp.float32),
    )(partials)

    return logits, loss[0, 0]

# --- scband reference (transcript-rebuilt; emitter-appended) ---
"""Pipeline reference for scband-bigram-lm-20804821582232 (READ-ONLY COPY).

The authoritative reference and input builder live on the scoring server;
editing this copy changes nothing except your own understanding.
"""

import jax, jax.numpy as jnp
import numpy as np

VOCAB = 1000
B = 1024
T = 50

def setup_inputs(seed: int = 0) -> dict:
    key = jax.random.key(seed)
    k1, k2, k3 = jax.random.split(key, 3)
    inputs = jax.random.randint(k1, (B, T), 0, VOCAB)
    labels = jax.random.randint(k2, (B, T), 0, VOCAB)
    # nn.Embedding default init is N(0,1); module scales weight by 0.15
    table = jax.random.normal(k3, (VOCAB, VOCAB), dtype=jnp.float32) * 0.15
    return {"inputs": inputs, "labels": labels, "table": table}

def reference(inputs, labels, table):
    # logits = self.embedding(inputs)
    logits = jnp.take(table, inputs, axis=0)  # [B, T, C]
    Bq, Tq, C = logits.shape
    logits = logits.reshape(Bq * Tq, C)
    labels_flat = labels.reshape(-1)
    # F.cross_entropy with mean reduction
    logp = jax.nn.log_softmax(logits, axis=-1)
    nll = -jnp.take_along_axis(logp, labels_flat[:, None], axis=1)[:, 0]
    loss = jnp.mean(nll)
    return (logits, loss)

if __name__ == "__main__":
    import jax
    _d = setup_inputs()
    print(jax.jit(kernel)(*tuple(_d.values())))

</pallas_src>

<mosaic_0001>
#map = affine_map<(d0, d1) -> (0, 0)>
#map1 = affine_map<(d0, d1) -> (0)>
module attributes {stable_mosaic.version = 14 : i64} {
  func.func @_loss_sc_body(%arg0: i32, %arg1: i32, %arg2: memref<62500x16xf32, #tpu.memory_space<hbm>>, %arg3: memref<51200xi32, #tpu.memory_space<hbm>>, %arg4: memref<51200xi32, #tpu.memory_space<hbm>>, %arg5: memref<1000xf32, #tpu.memory_space<hbm>>, %arg6: memref<32x16xf32, #tpu.memory_space<hbm>>, %arg7: memref<1600xi32, #tpu.memory_space<vmem>>, %arg8: memref<1600xi32, #tpu.memory_space<vmem>>, %arg9: memref<1600x16xf32, #tpu.memory_space<vmem>>, %arg10: memref<1000xf32, #tpu.memory_space<vmem>>, %arg11: memref<16xf32, #tpu.memory_space<vmem>>, %arg12: memref<!tpu.dma_semaphore, #tpu.memory_space<semaphore_mem>>) attributes {dimension_semantics = [#tpu.dimension_semantics<core_parallel>, #tpu.dimension_semantics<subcore_parallel>], iteration_bounds = array<i64: 2, 16>, scalar_prefetch = 0 : i64, scratch_operands = 6 : i64, tpu.core_type = #tpu.core_type<sc_vector_subcore>, window_params = [{transform_indices = #map}, {transform_indices = #map1}, {transform_indices = #map1}, {transform_indices = #map1}, {transform_indices = #map}]} {
    %mul3A = arith.constant 2 : i32
    %mul3A_0 = arith.muli %arg1, %mul3A : i32
    %add3A = arith.addi %mul3A_0, %arg0 : i32
    %mul3A_1 = arith.constant 1600 : i32
    %mul3A_2 = arith.muli %add3A, %mul3A_1 : i32
    "tpu.region"() ({
      %run_scoped3A = tpu.sem_alloc : memref<!tpu.dma_semaphore, #tpu.memory_space<semaphore_mem>>
      %dma_start3A = tpu.memref_slice %arg3[%mul3A_2] : memref<51200xi32, #tpu.memory_space<hbm>> -> memref<1600xi32, #tpu.memory_space<hbm>>
      %dma_start3A_17 = tpu.memref_slice %arg3[%mul3A_2] : memref<51200xi32, #tpu.memory_space<hbm>> -> memref<1600xi32, #tpu.memory_space<hbm>>
      tpu.enqueue_dma source(%dma_start3A_17 : memref<1600xi32, #tpu.memory_space<hbm>>) target(%arg7 : memref<1600xi32, #tpu.memory_space<vmem>>) target_semaphore(%run_scoped3A : memref<!tpu.dma_semaphore, #tpu.memory_space<semaphore_mem>>)
      %dma_wait3A = tpu.memref_slice %arg3[%mul3A_2] : memref<51200xi32, #tpu.memory_space<hbm>> -> memref<1600xi32, #tpu.memory_space<hbm>>
      %dma_wait3A_18 = tpu.memref_slice %arg3[%mul3A_2] : memref<51200xi32, #tpu.memory_space<hbm>> -> memref<1600xi32, #tpu.memory_space<hbm>>
      tpu.wait_dma2 semaphore(%run_scoped3A : memref<!tpu.dma_semaphore, #tpu.memory_space<semaphore_mem>>) src(%dma_wait3A_18 : memref<1600xi32, #tpu.memory_space<hbm>>) dst(%arg7 : memref<1600xi32, #tpu.memory_space<vmem>>)
      tpu.yield
    }) : () -> ()
    "tpu.region"() ({
      %run_scoped3A = tpu.sem_alloc : memref<!tpu.dma_semaphore, #tpu.memory_space<semaphore_mem>>
      %dma_start3A = tpu.memref_slice %arg4[%mul3A_2] : memref<51200xi32, #tpu.memory_space<hbm>> -> memref<1600xi32, #tpu.memory_space<hbm>>
      %dma_start3A_17 = tpu.memref_slice %arg4[%mul3A_2] : memref<51200xi32, #tpu.memory_space<hbm>> -> memref<1600xi32, #tpu.memory_space<hbm>>
      tpu.enqueue_dma source(%dma_start3A_17 : memref<1600xi32, #tpu.memory_space<hbm>>) target(%arg8 : memref<1600xi32, #tpu.memory_space<vmem>>) target_semaphore(%run_scoped3A : memref<!tpu.dma_semaphore, #tpu.memory_space<semaphore_mem>>)
      %dma_wait3A = tpu.memref_slice %arg4[%mul3A_2] : memref<51200xi32, #tpu.memory_space<hbm>> -> memref<1600xi32, #tpu.memory_space<hbm>>
      %dma_wait3A_18 = tpu.memref_slice %arg4[%mul3A_2] : memref<51200xi32, #tpu.memory_space<hbm>> -> memref<1600xi32, #tpu.memory_space<hbm>>
      tpu.wait_dma2 semaphore(%run_scoped3A : memref<!tpu.dma_semaphore, #tpu.memory_space<semaphore_mem>>) src(%dma_wait3A_18 : memref<1600xi32, #tpu.memory_space<hbm>>) dst(%arg8 : memref<1600xi32, #tpu.memory_space<vmem>>)
      tpu.yield
    }) : () -> ()
    "tpu.region"() ({
      %run_scoped3A = tpu.sem_alloc : memref<!tpu.dma_semaphore, #tpu.memory_space<semaphore_mem>>
      tpu.enqueue_dma source(%arg5 : memref<1000xf32, #tpu.memory_space<hbm>>) target(%arg10 : memref<1000xf32, #tpu.memory_space<vmem>>) target_semaphore(%run_scoped3A : memref<!tpu.dma_semaphore, #tpu.memory_space<semaphore_mem>>)
      tpu.wait_dma2 semaphore(%run_scoped3A : memref<!tpu.dma_semaphore, #tpu.memory_space<semaphore_mem>>) src(%arg5 : memref<1000xf32, #tpu.memory_space<hbm>>) dst(%arg10 : memref<1000xf32, #tpu.memory_space<vmem>>)
      tpu.yield
    }) : () -> ()
    %scan3A = arith.constant 0 : i32
    %scan3A_3 = arith.constant 0 : i32
    %scan3A_4 = arith.constant 50 : i32
    %scan3A_5 = arith.addi %scan3A_3, %scan3A_4 : i32
    %scan3A_6 = arith.constant 1 : i32
    %scan3A_7 = scf.for %scan3A_17 = %scan3A_3 to %scan3A_5 step %scan3A_6 iter_args(%scan3A_18 = %scan3A) -> (i32)  : i32 {
      %mul3A_19 = arith.constant 2 : i32
      %mul3A_20 = arith.muli %scan3A_17, %mul3A_19 : i32
      %add3A_21 = arith.constant 0 : i32
      %add3A_22 = arith.addi %mul3A_20, %add3A_21 : i32
      %mul3A_23 = arith.constant 16 : i32
      %mul3A_24 = arith.muli %add3A_22, %mul3A_23 : i32
      %get3A = arith.index_cast %mul3A_24 : i32 to index
      %get3A_25 = tpu.vector_load %arg7[%get3A] {strides = array<i32>} : memref<1600xi32, #tpu.memory_space<vmem>>, vector<16xi32>,
      %mul3A_26 = arith.constant 16 : i32
      %mul3A_27 = arith.muli %add3A_22, %mul3A_26 : i32
      %get3A_28 = arith.index_cast %mul3A_27 : i32 to index
      %get3A_29 = tpu.vector_load %arg8[%get3A_28] {strides = array<i32>} : memref<1600xi32, #tpu.memory_space<vmem>>, vector<16xi32>,
      %mul3A_30 = arith.constant 1000 : i32
      %mul3A_31 = vector.broadcast %mul3A_30 : i32 to vector<16xi32>
      %mul3A_32 = arith.muli %get3A_25, %mul3A_31 : vector<16xi32>
      %add3A_33 = arith.addi %mul3A_32, %get3A_29 : vector<16xi32>
      %shift_right_logical3A = arith.constant 4 : i32
      %shift_right_logical3A_34 = vector.broadcast %shift_right_logical3A : i32 to vector<16xi32>
      %shift_right_logical3A_35 = arith.shrui %add3A_33, %shift_right_logical3A_34 : vector<16xi32>
      %mul3A_36 = arith.constant 16 : i32
      %mul3A_37 = arith.muli %add3A_22, %mul3A_36 : i32
      %dma_start3A = arith.constant 0 : i32
      %dma_start3A_38 = tpu.memref_slice %arg9[%mul3A_37, %dma_start3A] : memref<1600x16xf32, #tpu.memory_space<vmem>> -> memref<16x16xf32, #tpu.memory_space<vmem>>
      %dma_start3A_39 = arith.constant 0 : i32
      %dma_start3A_40 = arith.constant 0 : i32
      %dma_start3A_41 = tpu.memref_slice %arg2[%dma_start3A_39, %dma_start3A_40] : memref<62500x16xf32, #tpu.memory_space<hbm>> -> memref<62500x16xf32, #tpu.memory_space<hbm>>
      tpu.enqueue_indirect_dma source(%dma_start3A_41 : memref<62500x16xf32, #tpu.memory_space<hbm>>) target(%dma_start3A_38 : memref<16x16xf32, #tpu.memory_space<vmem>>) offsets(%shift_right_logical3A_35 : vector<16xi32>) semaphore(%arg12 : memref<!tpu.dma_semaphore, #tpu.memory_space<semaphore_mem>>)
      %mul3A_42 = arith.constant 2 : i32
      %mul3A_43 = arith.muli %scan3A_17, %mul3A_42 : i32
      %add3A_44 = arith.constant 1 : i32
      %add3A_45 = arith.addi %mul3A_43, %add3A_44 : i32
      %mul3A_46 = arith.constant 16 : i32
      %mul3A_47 = arith.muli %add3A_45, %mul3A_46 : i32
      %get3A_48 = arith.index_cast %mul3A_47 : i32 to index
      %get3A_49 = tpu.vector_load %arg7[%get3A_48] {strides = array<i32>} : memref<1600xi32, #tpu.memory_space<vmem>>, vector<16xi32>,
      %mul3A_50 = arith.constant 16 : i32
      %mul3A_51 = arith.muli %add3A_45, %mul3A_50 : i32
      %get3A_52 = arith.index_cast %mul3A_51 : i32 to index
      %get3A_53 = tpu.vector_load %arg8[%get3A_52] {strides = array<i32>} : memref<1600xi32, #tpu.memory_space<vmem>>, vector<16xi32>,
      %mul3A_54 = arith.constant 1000 : i32
      %mul3A_55 = vector.broadcast %mul3A_54 : i32 to vector<16xi32>
      %mul3A_56 = arith.muli %get3A_49, %mul3A_55 : vector<16xi32>
      %add3A_57 = arith.addi %mul3A_56, %get3A_53 : vector<16xi32>
      %shift_right_logical3A_58 = arith.constant 4 : i32
      %shift_right_logical3A_59 = vector.broadcast %shift_right_logical3A_58 : i32 to vector<16xi32>
      %shift_right_logical3A_60 = arith.shrui %add3A_57, %shift_right_logical3A_59 : vector<16xi32>
      %mul3A_61 = arith.constant 16 : i32
      %mul3A_62 = arith.muli %add3A_45, %mul3A_61 : i32
      %dma_start3A_63 = arith.constant 0 : i32
      %dma_start3A_64 = tpu.memref_slice %arg9[%mul3A_62, %dma_start3A_63] : memref<1600x16xf32, #tpu.memory_space<vmem>> -> memref<16x16xf32, #tpu.memory_space<vmem>>
      %dma_start3A_65 = arith.constant 0 : i32
      %dma_start3A_66 = arith.constant 0 : i32
      %dma_start3A_67 = tpu.memref_slice %arg2[%dma_start3A_65, %dma_start3A_66] : memref<62500x16xf32, #tpu.memory_space<hbm>> -> memref<62500x16xf32, #tpu.memory_space<hbm>>
      tpu.enqueue_indirect_dma source(%dma_start3A_67 : memref<62500x16xf32, #tpu.memory_space<hbm>>) target(%dma_start3A_64 : memref<16x16xf32, #tpu.memory_space<vmem>>) offsets(%shift_right_logical3A_60 : vector<16xi32>) semaphore(%arg12 : memref<!tpu.dma_semaphore, #tpu.memory_space<semaphore_mem>>)
      %mul3A_68 = arith.constant 2 : i32
      %mul3A_69 = arith.muli %scan3A_17, %mul3A_68 : i32
      %add3A_70 = arith.constant 0 : i32
      %add3A_71 = arith.addi %mul3A_69, %add3A_70 : i32
      %mul3A_72 = arith.constant 16 : i32
      %mul3A_73 = arith.muli %add3A_71, %mul3A_72 : i32
      %get3A_74 = arith.index_cast %mul3A_73 : i32 to index
      %get3A_75 = tpu.vector_load %arg7[%get3A_74] {strides = array<i32>} : memref<1600xi32, #tpu.memory_space<vmem>>, vector<16xi32>,
      %mul3A_76 = arith.constant 16 : i32
      %mul3A_77 = arith.muli %add3A_71, %mul3A_76 : i32
      %get3A_78 = arith.index_cast %mul3A_77 : i32 to index
      %get3A_79 = tpu.vector_load %arg8[%get3A_78] {strides = array<i32>} : memref<1600xi32, #tpu.memory_space<vmem>>, vector<16xi32>,
      %mul3A_80 = arith.constant 1000 : i32
      %mul3A_81 = vector.broadcast %mul3A_80 : i32 to vector<16xi32>
      %mul3A_82 = arith.muli %get3A_75, %mul3A_81 : vector<16xi32>
      %add3A_83 = arith.addi %mul3A_82, %get3A_79 : vector<16xi32>
      %shift_right_logical3A_84 = arith.constant 4 : i32
      %shift_right_logical3A_85 = vector.broadcast %shift_right_logical3A_84 : i32 to vector<16xi32>
      %shift_right_logical3A_86 = arith.shrui %add3A_83, %shift_right_logical3A_85 : vector<16xi32>
      %mul3A_87 = arith.constant 16 : i32
      %mul3A_88 = arith.muli %add3A_71, %mul3A_87 : i32
      %dma_wait3A = arith.constant 0 : i32
      %dma_wait3A_89 = tpu.memref_slice %arg9[%mul3A_88, %dma_wait3A] : memref<1600x16xf32, #tpu.memory_space<vmem>> -> memref<16x16xf32, #tpu.memory_space<vmem>>
      %dma_wait3A_90 = arith.constant 0 : i32
      %dma_wait3A_91 = arith.constant 0 : i32
      %dma_wait3A_92 = tpu.memref_slice %arg2[%dma_wait3A_90, %dma_wait3A_91] : memref<62500x16xf32, #tpu.memory_space<hbm>> -> memref<62500x16xf32, #tpu.memory_space<hbm>>
      tpu.wait_indirect_dma semaphore(%arg12 : memref<!tpu.dma_semaphore, #tpu.memory_space<semaphore_mem>>) src(%dma_wait3A_92 : memref<62500x16xf32, #tpu.memory_space<hbm>>) dst(%dma_wait3A_89 : memref<16x16xf32, #tpu.memory_space<vmem>>)
      %mul3A_93 = arith.constant 2 : i32
      %mul3A_94 = arith.muli %scan3A_17, %mul3A_93 : i32
      %add3A_95 = arith.constant 1 : i32
      %add3A_96 = arith.addi %mul3A_94, %add3A_95 : i32
      %mul3A_97 = arith.constant 16 : i32
      %mul3A_98 = arith.muli %add3A_96, %mul3A_97 : i32
      %get3A_99 = arith.index_cast %mul3A_98 : i32 to index
      %get3A_100 = tpu.vector_load %arg7[%get3A_99] {strides = array<i32>} : memref<1600xi32, #tpu.memory_space<vmem>>, vector<16xi32>,
      %mul3A_101 = arith.constant 16 : i32
      %mul3A_102 = arith.muli %add3A_96, %mul3A_101 : i32
      %get3A_103 = arith.index_cast %mul3A_102 : i32 to index
      %get3A_104 = tpu.vector_load %arg8[%get3A_103] {strides = array<i32>} : memref<1600xi32, #tpu.memory_space<vmem>>, vector<16xi32>,
      %mul3A_105 = arith.constant 1000 : i32
      %mul3A_106 = vector.broadcast %mul3A_105 : i32 to vector<16xi32>
      %mul3A_107 = arith.muli %get3A_100, %mul3A_106 : vector<16xi32>
      %add3A_108 = arith.addi %mul3A_107, %get3A_104 : vector<16xi32>
      %shift_right_logical3A_109 = arith.constant 4 : i32
      %shift_right_logical3A_110 = vector.broadcast %shift_right_logical3A_109 : i32 to vector<16xi32>
      %shift_right_logical3A_111 = arith.shrui %add3A_108, %shift_right_logical3A_110 : vector<16xi32>
      %mul3A_112 = arith.constant 16 : i32
      %mul3A_113 = arith.muli %add3A_96, %mul3A_112 : i32
      %dma_wait3A_114 = arith.constant 0 : i32
      %dma_wait3A_115 = tpu.memref_slice %arg9[%mul3A_113, %dma_wait3A_114] : memref<1600x16xf32, #tpu.memory_space<vmem>> -> memref<16x16xf32, #tpu.memory_space<vmem>>
      %dma_wait3A_116 = arith.constant 0 : i32
      %dma_wait3A_117 = arith.constant 0 : i32
      %dma_wait3A_118 = tpu.memref_slice %arg2[%dma_wait3A_116, %dma_wait3A_117] : memref<62500x16xf32, #tpu.memory_space<hbm>> -> memref<62500x16xf32, #tpu.memory_space<hbm>>
      tpu.wait_indirect_dma semaphore(%arg12 : memref<!tpu.dma_semaphore, #tpu.memory_space<semaphore_mem>>) src(%dma_wait3A_118 : memref<62500x16xf32, #tpu.memory_space<hbm>>) dst(%dma_wait3A_115 : memref<16x16xf32, #tpu.memory_space<vmem>>)
      %scan3A_119 = arith.constant 0 : i32
      scf.yield %scan3A_119 : i32
    }
    %scan3A_8 = arith.constant 50 : i32
    %iota3A = tpu.iota {dimensions = array<i32: 0>} : vector<16xi32>
    %broadcast_in_dim3A = arith.constant 0.000000e+00 : f32
    %broadcast_in_dim3A_9 = vector.broadcast %broadcast_in_dim3A : f32 to vector<16xf32>
    %scan3A_10 = arith.constant 0 : i32
    %scan3A_11 = arith.constant 100 : i32
    %scan3A_12 = arith.addi %scan3A_10, %scan3A_11 : i32
    %scan3A_13 = arith.constant 1 : i32
    %scan3A_14 = scf.for %scan3A_17 = %scan3A_10 to %scan3A_12 step %scan3A_13 iter_args(%scan3A_18 = %broadcast_in_dim3A_9) -> (vector<16xf32>)  : i32 {
      %mul3A_19 = arith.constant 16 : i32
      %mul3A_20 = arith.muli %scan3A_17, %mul3A_19 : i32
      %get3A = arith.index_cast %mul3A_20 : i32 to index
      %get3A_21 = tpu.vector_load %arg7[%get3A] {strides = array<i32>} : memref<1600xi32, #tpu.memory_space<vmem>>, vector<16xi32>,
      %mul3A_22 = arith.constant 16 : i32
      %mul3A_23 = arith.muli %scan3A_17, %mul3A_22 : i32
      %get3A_24 = arith.index_cast %mul3A_23 : i32 to index
      %get3A_25 = tpu.vector_load %arg8[%get3A_24] {strides = array<i32>} : memref<1600xi32, #tpu.memory_space<vmem>>, vector<16xi32>,
      %mul3A_26 = arith.constant 1000 : i32
      %mul3A_27 = vector.broadcast %mul3A_26 : i32 to vector<16xi32>
      %mul3A_28 = arith.muli %get3A_21, %mul3A_27 : vector<16xi32>
      %add3A_29 = arith.addi %mul3A_28, %get3A_25 : vector<16xi32>
      %and3A = arith.constant 15 : i32
      %and3A_30 = vector.broadcast %and3A : i32 to vector<16xi32>
      %and3A_31 = arith.andi %add3A_29, %and3A_30 : vector<16xi32>
      %gather3A = tpu.vector_load_idx %arg10[%get3A_21] : memref<1000xf32, #tpu.memory_space<vmem>>[vector<16xi32>], vector<16xf32>,
      %mul3A_32 = arith.constant 16 : i32
      %mul3A_33 = arith.muli %scan3A_17, %mul3A_32 : i32
      %add3A_34 = vector.broadcast %mul3A_33 : i32 to vector<16xi32>
      %add3A_35 = arith.addi %iota3A, %add3A_34 : vector<16xi32>
      %gather3A_36 = tpu.vector_load_idx %arg9[%add3A_35, %and3A_31] : memref<1600x16xf32, #tpu.memory_space<vmem>>[vector<16xi32>, vector<16xi32>], vector<16xf32>,
      %sub3A = arith.subf %gather3A, %gather3A_36 : vector<16xf32>
      %add3A_37 = arith.addf %scan3A_18, %sub3A : vector<16xf32>
      scf.yield %add3A_37 : vector<16xf32>
    }
    %scan3A_15 = arith.constant 100 : i32
    %swap3A = arith.constant 0 : index
    %swap3A_16 = tpu.vector_load %arg11[%swap3A] {strides = array<i32>} : memref<16xf32, #tpu.memory_space<vmem>>, vector<16xf32>,
    tpu.vector_store %arg11[%swap3A], %scan3A_14 {strides = array<i32>} : memref<16xf32, #tpu.memory_space<vmem>>, vector<16xf32>,
    "tpu.region"() ({
      %run_scoped3A = tpu.sem_alloc : memref<!tpu.dma_semaphore, #tpu.memory_space<semaphore_mem>>
      %dma_start3A = arith.constant 0 : i32
      %dma_start3A_17 = tpu.memref_slice %arg6[%add3A, %dma_start3A] : memref<32x16xf32, #tpu.memory_space<hbm>> -> memref<1x16xf32, #tpu.memory_space<hbm>>
      %dma_start3A_18 = tpu.memref_squeeze %dma_start3A_17 : memref<1x16xf32, #tpu.memory_space<hbm>> -> memref<16xf32, #tpu.memory_space<hbm>>
      %dma_start3A_19 = arith.constant 0 : i32
      %dma_start3A_20 = tpu.memref_slice %arg6[%add3A, %dma_start3A_19] : memref<32x16xf32, #tpu.memory_space<hbm>> -> memref<1x16xf32, #tpu.memory_space<hbm>>
      %dma_start3A_21 = tpu.memref_squeeze %dma_start3A_20 : memref<1x16xf32, #tpu.memory_space<hbm>> -> memref<16xf32, #tpu.memory_space<hbm>>
      tpu.enqueue_dma source(%arg11 : memref<16xf32, #tpu.memory_space<vmem>>) target(%dma_start3A_21 : memref<16xf32, #tpu.memory_space<hbm>>) target_semaphore(%run_scoped3A : memref<!tpu.dma_semaphore, #tpu.memory_space<semaphore_mem>>)
      %dma_wait3A = arith.constant 0 : i32
      %dma_wait3A_22 = tpu.memref_slice %arg6[%add3A, %dma_wait3A] : memref<32x16xf32, #tpu.memory_space<hbm>> -> memref<1x16xf32, #tpu.memory_space<hbm>>
      %dma_wait3A_23 = tpu.memref_squeeze %dma_wait3A_22 : memref<1x16xf32, #tpu.memory_space<hbm>> -> memref<16xf32, #tpu.memory_space<hbm>>
      %dma_wait3A_24 = arith.constant 0 : i32
      %dma_wait3A_25 = tpu.memref_slice %arg6[%add3A, %dma_wait3A_24] : memref<32x16xf32, #tpu.memory_space<hbm>> -> memref<1x16xf32, #tpu.memory_space<hbm>>
      %dma_wait3A_26 = tpu.memref_squeeze %dma_wait3A_25 : memref<1x16xf32, #tpu.memory_space<hbm>> -> memref<16xf32, #tpu.memory_space<hbm>>
      tpu.wait_dma2 semaphore(%run_scoped3A : memref<!tpu.dma_semaphore, #tpu.memory_space<semaphore_mem>>) src(%arg11 : memref<16xf32, #tpu.memory_space<vmem>>) dst(%dma_wait3A_26 : memref<16xf32, #tpu.memory_space<hbm>>)
      tpu.yield
    }) : () -> ()
    return
  }
}

module attributes {stable_mosaic.version = 14 : i64} {
  func.func @_lse_body(%arg0: memref<1000x1000xf32, #tpu.memory_space<vmem>>, %arg1: memref<1000xf32, #tpu.memory_space<vmem>>) attributes {dimension_semantics = [], scalar_prefetch = 0 : i64, scratch_operands = 0 : i64, tpu.core_type = #tpu.core_type<tc>} {
    %get3A = arith.constant 0 : index
    %get3A_0 = arith.constant 0 : index
    %get3A_1 = vector.load %arg0[%get3A, %get3A_0] : memref<1000x1000xf32, #tpu.memory_space<vmem>>, vector<1000x1000xf32>
    %reduce_max3A = arith.constant dense<0xFF800000> : vector<1000xf32>
    %reduce_max3A_2 = vector.multi_reduction <maximumf>, %get3A_1, %reduce_max3A [1] : vector<1000x1000xf32> to vector<1000xf32>
    %broadcast_in_dim3A = vector.shape_cast %reduce_max3A_2 : vector<1000xf32> to vector<1000x1xf32>
    %sub3A = vector.broadcast %broadcast_in_dim3A : vector<1000x1xf32> to vector<1000x1000xf32>
    %sub3A_3 = arith.subf %get3A_1, %sub3A : vector<1000x1000xf32>
    %exp3A = math.exp %sub3A_3 : vector<1000x1000xf32>
    %reduce_sum3A = arith.constant dense<0.000000e+00> : vector<1000xf32>
    %reduce_sum3A_4 = vector.multi_reduction <add>, %exp3A, %reduce_sum3A [1] : vector<1000x1000xf32> to vector<1000xf32>
    %log3A = math.log %reduce_sum3A_4 : vector<1000xf32>
    %add3A = arith.addf %reduce_max3A_2, %log3A : vector<1000xf32>
    %swap3A = arith.constant 0 : index
    %swap3A_5 = vector.load %arg1[%swap3A] : memref<1000xf32, #tpu.memory_space<vmem>>, vector<1000xf32>
    tpu.vector_store %arg1[%swap3A], %add3A {strides = array<i32>} : memref<1000xf32, #tpu.memory_space<vmem>>, vector<1000xf32>,
    return
  }
}

module attributes {stable_mosaic.version = 14 : i64} {
  func.func @_logits_body(%arg0: i32, %arg1: memref<1x1x2048xi16, #tpu.memory_space<vmem>>, %arg2: memref<1000x1000xbf16, #tpu.memory_space<vmem>>, %arg3: memref<1000x2048xf32, #tpu.memory_space<vmem>>) attributes {dimension_semantics = [#tpu.dimension_semantics<arbitrary>], iteration_bounds = array<i64: 25>, scalar_prefetch = 0 : i64, scratch_operands = 0 : i64, tpu.core_type = #tpu.core_type<tc>, window_params = [{transform_indices = @transform_0, window_bounds = array<i64: 1, 1, 2048>}, {pipeline_mode = #tpu.pipeline_mode<synchronous>, transform_indices = @transform_1, window_bounds = array<i64: 1000, 1000>}, {transform_indices = @transform_2, window_bounds = array<i64: 1000, 2048>}]} {
    %get3A = arith.constant 0 : index
    %get3A_0 = arith.constant 0 : index
    %get3A_1 = vector.load %arg2[%get3A, %get3A_0] : memref<1000x1000xbf16, #tpu.memory_space<vmem>>, vector<1000x1000xbf16>
    %iota3A = tpu.iota {dimensions = array<i32: 0>} : vector<1000x512xi16>
    %get3A_2 = arith.constant 0 : index
    %get3A_3 = arith.constant 0 : index
    %get3A_4 = arith.constant 0 : index
    %get3A_5 = vector.load %arg1[%get3A_2, %get3A_3, %get3A_4] : memref<1x1x2048xi16, #tpu.memory_space<vmem>>, vector<1x1x512xi16>
    %get3A_6 = vector.shape_cast %get3A_5 : vector<1x1x512xi16> to vector<512xi16>
    %broadcast_in_dim3A = vector.shape_cast %get3A_6 : vector<512xi16> to vector<1x512xi16>
    %eq3A = vector.broadcast %broadcast_in_dim3A : vector<1x512xi16> to vector<1000x512xi16>
    %eq3A_7 = arith.cmpi eq, %iota3A, %eq3A : vector<1000x512xi16>
    %jit3A = arith.constant 1.000000e+00 : bf16
    %jit3A_8 = arith.constant 0.000000e+00 : bf16
    %broadcast_in_dim3A_9 = vector.broadcast %jit3A : bf16 to vector<1000x512xbf16>
    %broadcast_in_dim3A_10 = vector.broadcast %jit3A_8 : bf16 to vector<1000x512xbf16>
    %select_n3A = arith.select %eq3A_7, %broadcast_in_dim3A_9, %broadcast_in_dim3A_10 : vector<1000x512xi1>, vector<1000x512xbf16>
    %dot_general3A = arith.constant dense<0.000000e+00> : vector<1000x512xf32>
    %dot_general3A_11 = tpu.matmul %get3A_1, %select_n3A, %dot_general3A {dimension_numbers = #tpu.dot_dimension_numbers<[1], [0], [0], [1], [0, 0, 1, 1], [], []>, transpose_lhs_hint = false} : vector<1000x1000xbf16>, vector<1000x512xbf16>, vector<1000x512xf32> -> vector<1000x512xf32>
    %swap3A = arith.constant 0 : index
    %swap3A_12 = arith.constant 0 : index
    %swap3A_13 = vector.load %arg3[%swap3A, %swap3A_12] : memref<1000x2048xf32, #tpu.memory_space<vmem>>, vector<1000x512xf32>
    tpu.vector_store %arg3[%swap3A, %swap3A_12], %dot_general3A_11 {strides = array<i32>} : memref<1000x2048xf32, #tpu.memory_space<vmem>>, vector<1000x512xf32>,
    %get3A_14 = arith.constant 0 : index
    %get3A_15 = arith.constant 0 : index
    %get3A_16 = arith.constant 512 : index
    %get3A_17 = vector.load %arg1[%get3A_14, %get3A_15, %get3A_16] : memref<1x1x2048xi16, #tpu.memory_space<vmem>>, vector<1x1x512xi16>
    %get3A_18 = vector.shape_cast %get3A_17 : vector<1x1x512xi16> to vector<512xi16>
    %broadcast_in_dim3A_19 = vector.shape_cast %get3A_18 : vector<512xi16> to vector<1x512xi16>
    %eq3A_20 = vector.broadcast %broadcast_in_dim3A_19 : vector<1x512xi16> to vector<1000x512xi16>
    %eq3A_21 = arith.cmpi eq, %iota3A, %eq3A_20 : vector<1000x512xi16>
    %jit3A_22 = arith.constant 1.000000e+00 : bf16
    %jit3A_23 = arith.constant 0.000000e+00 : bf16
    %broadcast_in_dim3A_24 = vector.broadcast %jit3A_22 : bf16 to vector<1000x512xbf16>
    %broadcast_in_dim3A_25 = vector.broadcast %jit3A_23 : bf16 to vector<1000x512xbf16>
    %select_n3A_26 = arith.select %eq3A_21, %broadcast_in_dim3A_24, %broadcast_in_dim3A_25 : vector<1000x512xi1>, vector<1000x512xbf16>
    %dot_general3A_27 = arith.constant dense<0.000000e+00> : vector<1000x512xf32>
    %dot_general3A_28 = tpu.matmul %get3A_1, %select_n3A_26, %dot_general3A_27 {dimension_numbers = #tpu.dot_dimension_numbers<[1], [0], [0], [1], [0, 0, 1, 1], [], []>, transpose_lhs_hint = false} : vector<1000x1000xbf16>, vector<1000x512xbf16>, vector<1000x512xf32> -> vector<1000x512xf32>
    %swap3A_29 = arith.constant 0 : index
    %swap3A_30 = arith.constant 512 : index
    %swap3A_31 = vector.load %arg3[%swap3A_29, %swap3A_30] : memref<1000x2048xf32, #tpu.memory_space<vmem>>, vector<1000x512xf32>
    tpu.vector_store %arg3[%swap3A_29, %swap3A_30], %dot_general3A_28 {strides = array<i32>} : memref<1000x2048xf32, #tpu.memory_space<vmem>>, vector<1000x512xf32>,
    %get3A_32 = arith.constant 0 : index
    %get3A_33 = arith.constant 0 : index
    %get3A_34 = arith.constant 1024 : index
    %get3A_35 = vector.load %arg1[%get3A_32, %get3A_33, %get3A_34] : memref<1x1x2048xi16, #tpu.memory_space<vmem>>, vector<1x1x512xi16>
    %get3A_36 = vector.shape_cast %get3A_35 : vector<1x1x512xi16> to vector<512xi16>
    %broadcast_in_dim3A_37 = vector.shape_cast %get3A_36 : vector<512xi16> to vector<1x512xi16>
    %eq3A_38 = vector.broadcast %broadcast_in_dim3A_37 : vector<1x512xi16> to vector<1000x512xi16>
    %eq3A_39 = arith.cmpi eq, %iota3A, %eq3A_38 : vector<1000x512xi16>
    %jit3A_40 = arith.constant 1.000000e+00 : bf16
    %jit3A_41 = arith.constant 0.000000e+00 : bf16
    %broadcast_in_dim3A_42 = vector.broadcast %jit3A_40 : bf16 to vector<1000x512xbf16>
    %broadcast_in_dim3A_43 = vector.broadcast %jit3A_41 : bf16 to vector<1000x512xbf16>
    %select_n3A_44 = arith.select %eq3A_39, %broadcast_in_dim3A_42, %broadcast_in_dim3A_43 : vector<1000x512xi1>, vector<1000x512xbf16>
    %dot_general3A_45 = arith.constant dense<0.000000e+00> : vector<1000x512xf32>
    %dot_general3A_46 = tpu.matmul %get3A_1, %select_n3A_44, %dot_general3A_45 {dimension_numbers = #tpu.dot_dimension_numbers<[1], [0], [0], [1], [0, 0, 1, 1], [], []>, transpose_lhs_hint = false} : vector<1000x1000xbf16>, vector<1000x512xbf16>, vector<1000x512xf32> -> vector<1000x512xf32>
    %swap3A_47 = arith.constant 0 : index
    %swap3A_48 = arith.constant 1024 : index
    %swap3A_49 = vector.load %arg3[%swap3A_47, %swap3A_48] : memref<1000x2048xf32, #tpu.memory_space<vmem>>, vector<1000x512xf32>
    tpu.vector_store %arg3[%swap3A_47, %swap3A_48], %dot_general3A_46 {strides = array<i32>} : memref<1000x2048xf32, #tpu.memory_space<vmem>>, vector<1000x512xf32>,
    %get3A_50 = arith.constant 0 : index
    %get3A_51 = arith.constant 0 : index
    %get3A_52 = arith.constant 1536 : index
    %get3A_53 = vector.load %arg1[%get3A_50, %get3A_51, %get3A_52] : memref<1x1x2048xi16, #tpu.memory_space<vmem>>, vector<1x1x512xi16>
    %get3A_54 = vector.shape_cast %get3A_53 : vector<1x1x512xi16> to vector<512xi16>
    %broadcast_in_dim3A_55 = vector.shape_cast %get3A_54 : vector<512xi16> to vector<1x512xi16>
    %eq3A_56 = vector.broadcast %broadcast_in_dim3A_55 : vector<1x512xi16> to vector<1000x512xi16>
    %eq3A_57 = arith.cmpi eq, %iota3A, %eq3A_56 : vector<1000x512xi16>
    %jit3A_58 = arith.constant 1.000000e+00 : bf16
    %jit3A_59 = arith.constant 0.000000e+00 : bf16
    %broadcast_in_dim3A_60 = vector.broadcast %jit3A_58 : bf16 to vector<1000x512xbf16>
    %broadcast_in_dim3A_61 = vector.broadcast %jit3A_59 : bf16 to vector<1000x512xbf16>
    %select_n3A_62 = arith.select %eq3A_57, %broadcast_in_dim3A_60, %broadcast_in_dim3A_61 : vector<1000x512xi1>, vector<1000x512xbf16>
    %dot_general3A_63 = arith.constant dense<0.000000e+00> : vector<1000x512xf32>
    %dot_general3A_64 = tpu.matmul %get3A_1, %select_n3A_62, %dot_general3A_63 {dimension_numbers = #tpu.dot_dimension_numbers<[1], [0], [0], [1], [0, 0, 1, 1], [], []>, transpose_lhs_hint = false} : vector<1000x1000xbf16>, vector<1000x512xbf16>, vector<1000x512xf32> -> vector<1000x512xf32>
    %swap3A_65 = arith.constant 0 : index
    %swap3A_66 = arith.constant 1536 : index
    %swap3A_67 = vector.load %arg3[%swap3A_65, %swap3A_66] : memref<1000x2048xf32, #tpu.memory_space<vmem>>, vector<1000x512xf32>
    tpu.vector_store %arg3[%swap3A_65, %swap3A_66], %dot_general3A_64 {strides = array<i32>} : memref<1000x2048xf32, #tpu.memory_space<vmem>>, vector<1000x512xf32>,
    return
  }
  func.func @transform_0(%arg0: i32) -> (i32, i32, i32) {
    %c0_i32 = arith.constant 0 : i32
    %c0_i32_0 = arith.constant 0 : i32
    %c0_i32_1 = arith.constant 0 : i32
    return %arg0, %c0_i32, %c0_i32_0 : i32, i32, i32
  }
  func.func @transform_1(%arg0: i32) -> (i32, i32) {
    %c0_i32 = arith.constant 0 : i32
    %c0_i32_0 = arith.constant 0 : i32
    %c0_i32_1 = arith.constant 0 : i32
    return %c0_i32, %c0_i32_0 : i32, i32
  }
  func.func @transform_2(%arg0: i32) -> (i32, i32) {
    %c0_i32 = arith.constant 0 : i32
    %c0_i32_0 = arith.constant 0 : i32
    return %c0_i32, %arg0 : i32, i32
  }
}

module attributes {stable_mosaic.version = 14 : i64} {
  func.func @_mean_body(%arg0: memref<32x16xf32, #tpu.memory_space<vmem>>, %arg1: memref<1x1xf32, #tpu.memory_space<vmem>>) attributes {dimension_semantics = [], scalar_prefetch = 0 : i64, scratch_operands = 0 : i64, tpu.core_type = #tpu.core_type<tc>} {
    %get3A = arith.constant 0 : index
    %get3A_0 = arith.constant 0 : index
    %get3A_1 = vector.load %arg0[%get3A, %get3A_0] : memref<32x16xf32, #tpu.memory_space<vmem>>, vector<32x16xf32>
    %reduce_sum3A = vector.shape_cast %get3A_1 : vector<32x16xf32> to vector<1x32x16xf32>
    %reduce_sum3A_2 = arith.constant dense<0.000000e+00> : vector<1xf32>
    %reduce_sum3A_3 = vector.multi_reduction <add>, %reduce_sum3A, %reduce_sum3A_2 [1, 2] : vector<1x32x16xf32> to vector<1xf32>
    %reduce_sum3A_4 = vector.shape_cast %reduce_sum3A_3 : vector<1xf32> to vector<1x1x1xf32>
    %reduce_sum3A_5 = vector.extract %reduce_sum3A_4[0, 0, 0] : f32 from vector<1x1x1xf32>
    %reshape3A = vector.broadcast %reduce_sum3A_5 : f32 to vector<1x1xf32>
    %mul3A = arith.constant 1.95312496E-5 : f32
    %mul3A_6 = vector.broadcast %mul3A : f32 to vector<1x1xf32>
    %mul3A_7 = arith.mulf %reshape3A, %mul3A_6 : vector<1x1xf32>
    %swap3A = arith.constant 0 : index
    %swap3A_8 = arith.constant 0 : index
    %swap3A_9 = vector.load %arg1[%swap3A, %swap3A_8] : memref<1x1xf32, #tpu.memory_space<vmem>>, vector<1x1xf32>
    tpu.vector_store %arg1[%swap3A, %swap3A_8], %mul3A_7 {strides = array<i32>} : memref<1x1xf32, #tpu.memory_space<vmem>>, vector<1x1xf32>,
    return
  }
}

</mosaic_0001>

<sc_bundles>
// kernel: kernel.6.cloned.1.call-start
scs
__scs_entry_jumppad:
0x0: {  	(pc) =	sbr.rel $0x88, $3  }
0x1: {  	(tag) =	ssettag $0x0;
	lr =	simm.s32 $0x1  }
0x2: {  	[smem:$0x3F9E] =	sst lr;
	_ =	strace $0xD0000000  }
0x3: {  	_ = 	snop  }
0x4: {  	_ = 	snop  }
0x5: {  	_ = 	snop  }
0x6: {  	_ = 	snop  }
0x7: {  	_ = 	snop  }
__scs_overlays_trampoline_lowered:
0x8: {  	[smem:$0x3FAD] =	sst s0  }
0x9: {  	[smem:$0x3FAE] =	sst s1  }
0xa: {  	[smem:$0x3FAF] =	sst s2  }
0xb: {  	[smem:$0x3FB0] =	sst s3  }
0xc: {  	[smem:$0x3FB1] =	sst s4  }
0xd: {  	[smem:$0x3FB2] =	sst s5  }
0xe: {  	[smem:$0x3FB3] =	sst s6  }
0xf: {  	[smem:$0x3FB4] =	sst s7  }
0x10: {  	[smem:$0x3FB5] =	sst s8  }
0x11: {  	[smem:$0x3FB6] =	sst s9;
	s0 =	simm.s32 @!p0 $0x0  }
0x12: {  	s1 =	sld [smem:$0x3F9C];
	s0 =	simm.s32 @p0 $0x1  }
0x13: {  	[smem:$0x3FB7] =	sst s0;
	s0 =	simm.s32 @!p1 $0x0  }
0x14: {  	s2 =	sld [smem:$0x3F9B];
	s0 =	simm.s32 @p1 $0x1  }
0x15: {  	[smem:$0x3FB8] =	sst s0;
	s0 =	simm.s32 @!p2 $0x0  }
0x16: {  	s3 =	sld [smem:$0x3FDB];
	s0 =	simm.s32 @p2 $0x1  }
0x17: {  	s4 =	simm.s32 $0x1BF5;
	[smem:$0x3FBA] =	sst s0  }
0x18: {  	s0 =	sld [smem:$0x3F9D];
	_ =	swait.ge [sflag:s4], $0x0  }
0x19: {  	s7 =	sld [smem:$0x3F9E]  }
0x1a: {  	s8 =	sadd.s32 $0xFFFFE003, lr  }
0x1b: {  	s9 =	sadd.s32 $0xFFFFFEF7, lr;
	s5 =	simm.s32 $0xFFFFFFFF;
	p2 =	slt.u32 s8, $0xFFFFF086  }
0x1c: {  	p1 =	slt.u32 s9, $0xF7A;
	s5 =	simm.s32 @!p2 $0x0  }
0x1d: {  	s5 =	simm.s32 @p1 $0x1;
	p0 =	seq.s32 s7, s2  }
0x1e: {  	s7 =	smul.u32 @!p0 $0xF7A, s2;
	p2 =	seq.s32 @!p0 s5, $0x0  }
0x1f: {  	s9 =	smul.u32 $0xF7A, s1;
	s8 =	simm.s32 @!p0 $0x1BF5;
	p2 =	por !p2, p0  }
0x20: {  	[sflag:s8] =	ssyncset.s32 @!p0 $0xFFFFF086;
	s6 =	sadd.s32 @!p0 s3, s7;
	s7 =	simm.s32 @!p0 $0x108  }
0x21: {  	s3 =	sadd.s32 s3, s9;
	s6 =	sadd.s32 @!p0 $0x88, s6;
	s7 =	simm.s32 @p2 $0x1082  }
0x22: {  	[simem:s7], [sflag:s8] =	dma.local @!p0 [hbm:s6], $0xF7A  }
0x23: {  	s9 =	sor.u32 $0xD0000000, s2;
	s6 =	simm.s32 $0x108;
	_ =	swait.ge @!p0 [sflag:s8], $0x0  }
0x24: {  	s3 =	sadd.s32 $0x88, s3;
	s6 =	simm.s32 @!p1 $0x1082;
	[sflag:s4] =	ssyncset.s32 $0xFFFFF086  }
0x25: {  	[simem:s6], [sflag:s4] =	dma.local [hbm:s3], $0xF7A  }
0x26: {  	[smem:$0x3F9E] =	sst s1;
	(tag) =	ssettag s2;
	_ =	strace s9  }
0x27: {  	s1 =	sld [smem:$0x3FAE]  }
0x28: {  	s2 =	sld [smem:$0x3FAF]  }
0x29: {  	s4 =	sld [smem:$0x3FB1]  }
0x2a: {  	p0 =	seq.s32 s5, $0x0;
	s5 =	sld [smem:$0x3FB2]  }
0x2b: {  	s6 =	sld [smem:$0x3FB3]  }
0x2c: {  	s7 =	sld [smem:$0x3FB4]  }
0x2d: {  	s3 =	simm.s32 $0x108;
	s8 =	sld [smem:$0x3FB5]  }
0x2e: {  	s3 =	simm.s32 @!p0 $0x1082;
	s9 =	sld [smem:$0x3FB6]  }
0x2f: {  	lr =	sadd.s32 s0, s3;
	s0 =	sld [smem:$0x3FAD]  }
0x30: {  	s3 =	sld [smem:$0x3FB0]  }
0x31: {  	[smem:$0x3FB9] =	sst s10  }
0x32: {  	s10 =	sld [smem:$0x3FB7];
	_ =	sdelay $0x3  }
0x33: {  	p0 =	seq.s32 s10, $0x1;
	s10 =	sld [smem:$0x3FB9];
	_ =	sdelay $0x3  }
0x34: {  	[smem:$0x3FB9] =	sst s10  }
0x35: {  	s10 =	sld [smem:$0x3FB8];
	_ =	sdelay $0x3  }
0x36: {  	p1 =	seq.s32 s10, $0x1;
	s10 =	sld [smem:$0x3FB9];
	_ =	sdelay $0x3  }
0x37: {  	[smem:$0x3FB9] =	sst s10  }
0x38: {  	s10 =	sld [smem:$0x3FBA]  }
0x39: {  	_ = 	snop;
	(pc) =	sbr.ind lr, $3  }
0x3a: {  	_ = 	snop  }
0x3b: {  	_ = 	snop  }
0x3c: {  	p2 =	seq.s32 s10, $0x1;
	s10 =	sld [smem:$0x3FB9]  }
0x3d: {  	_ =	shalt  }
0x3e: {  	_ =	shalt  }
0x3f: {  	_ =	shalt  }
0x40: {  	_ =	shalt  }
0x41: {  	_ =	shalt  }
0x42: {  	_ =	shalt  }
0x43: {  	_ =	shalt  }
0x44: {  	_ =	shalt  }
0x45: {  	_ =	shalt  }
0x46: {  	_ =	shalt  }
0x47: {  	_ =	shalt  }
0x48: {  	_ =	shalt  }
0x49: {  	_ =	shalt  }
0x4a: {  	_ =	shalt  }
0x4b: {  	_ =	shalt  }
0x4c: {  	_ =	shalt  }
0x4d: {  	_ =	shalt  }
0x4e: {  	_ =	shalt  }
0x4f: {  	_ =	shalt  }
0x50: {  	_ =	shalt  }
0x51: {  	_ =	shalt  }
0x52: {  	_ =	shalt  }
0x53: {  	_ =	shalt  }
0x54: {  	_ =	shalt  }
0x55: {  	_ =	shalt  }
0x56: {  	_ =	shalt  }
0x57: {  	_ =	shalt  }
0x58: {  	_ =	shalt  }
0x59: {  	_ =	shalt  }
0x5a: {  	_ =	shalt  }
0x5b: {  	_ =	shalt  }
0x5c: {  	_ =	shalt  }
0x5d: {  	_ =	shalt  }
0x5e: {  	_ =	shalt  }
0x5f: {  	_ =	shalt  }
0x60: {  	_ =	shalt  }
0x61: {  	_ =	shalt  }
0x62: {  	_ =	shalt  }
0x63: {  	_ =	shalt  }
0x64: {  	_ =	shalt  }
0x65: {  	_ =	shalt  }
0x66: {  	_ =	shalt  }
0x67: {  	_ =	shalt  }
0x68: {  	_ =	shalt  }
0x69: {  	_ =	shalt  }
0x6a: {  	_ =	shalt  }
0x6b: {  	_ =	shalt  }
0x6c: {  	_ =	shalt  }
0x6d: {  	_ =	shalt  }
0x6e: {  	_ =	shalt  }
0x6f: {  	_ =	shalt  }
0x70: {  	_ =	shalt  }
0x71: {  	_ =	shalt  }
0x72: {  	_ =	shalt  }
0x73: {  	_ =	shalt  }
0x74: {  	_ =	shalt  }
0x75: {  	_ =	shalt  }
0x76: {  	_ =	shalt  }
0x77: {  	_ =	shalt  }
0x78: {  	_ =	shalt  }
0x79: {  	_ =	shalt  }
0x7a: {  	_ =	shalt  }
0x7b: {  	_ =	shalt  }
0x7c: {  	_ =	shalt  }
0x7d: {  	_ =	shalt  }
0x7e: {  	_ =	shalt  }
0x7f: {  	_ =	shalt  }
0x80: {  	_ =	shalt  }
0x81: {  	_ =	shalt  }
0x82: {  	_ =	shalt  }
0x83: {  	_ =	shalt  }
0x84: {  	_ =	shalt  }
0x85: {  	_ =	shalt  }
0x86: {  	_ =	shalt  }
0x87: {  	_ =	shalt  }
.Lfunc_end0:
.L_simem_size_0:
called_computation_lowered:
.L_overlay_start_0:
0x88: {  	s2 =	sld [smem:$0x3FD9]  }
0x89: {  	s3 =	sld [smem:$0x3FFE];
	_ =	sdelay $0x1  }
0x8a: {  	s1 =	srdreg.scid  }
0x8b: {  	s0 =	sand.u32 $0x1, s1  }
0x8c: {  	s16 =	sshll.u32 s0, $0xA;
	s2 =	sadd.s32 s3, s2  }
0x8d: {  	s2 =	sadd.s32 s2, s16  }
0x8e: {  	[smem:$0x3FC5] =	sst s2  }
0x8f: {  	_ = 	snop  }
0x90: {  	(tm) =	ssettm $0x1  }
0x91: {  	s17 =	sld [smem:$0x3FFB];
	_ =	sdelay $0x3  }
0x92: {  	_ =	strace s17  }
0x93: {  	s2 =	sld [smem:$0x3FFC];
	_ =	sdelay $0x3  }
0x94: {  	_ =	strace s2  }
0x95: {  	s2 =	sld [smem:$0x3FFD];
	_ =	sdelay $0x3  }
0x96: {  	_ =	strace s2  }
0x97: {  	_ =	strace $0x8FFFFFFF  }
0x98: {  	s18 =	sld [smem:$0x3FDB];
	_ =	sdelay $0x1  }
0x99: {  	s19 =	simm.s32 $_scs_section_size  }
0x9a: {  	s4 =	simm.s32 $_size__tile_overlayer_lowered;
	s5 =	simm.s32 $_tile_overlayer_lowered  }
0x9b: {  	s22 =	simm.s32 $0x1BFF;
	s21 =	sshll.u32 s5, $0x1;
	s2 =	sadd.s32 s19, s18  }
0x9c: {  	s6 =	simm.s32 $0x0;
	s20 =	sshll.u32 s4, $0x1;
	s4 =	sadd.s32 s21, s2  }
0x9d: {  	[timem:s6], [sflag:s22] =	dma.local [hbm:s4], s20  }
0x9e: {  	_ =	swait.ge [sflag:s22], s20  }
0x9f: {  	s3 =	ssub.s32 $0x0, s20;
	[sflag:s22] =	ssyncset.done $0x0  }
0xa0: {  	[sflag:s22] =	ssyncadd.s32 s3;
	_ =	sdelay $0x1  }
0xa1: {  	s23 =	simm.s32 $0x1B8B  }
0xa2: {  	_ =	swait.ge [sflag:s23], $0x1  }
0xa3: {  	[sflag:s23] =	ssyncset.done $0x0  }
0xa4: {  	s25 =	simm.s32 $0x1B8E;
	s24 =	sld [smem:$0x3FFE];
	[sflag:s23] =	ssyncadd.s32 $0xFFFFFFFF  }
0xa5: {  	s26 =	simm.s32 $execute0_lowered;
	[smem:$0x3FD2] =	sst s25  }
0xa6: {  	s4 =	sshll.u32 s26, $0x1;
	_ =	strace $0x80000046;
	[dreg:$0x1] =	wrdreg $0xFFFFFFFF  }
0xa7: {  	s28 =	simm.s32 $_size_execute0_lowered;
	s2 =	sadd.s32 s2, s4;
	[dreg:$0x0] =	wrdreg $0x0  }
0xa8: {  	s4 =	sshll.u32 s28, $0x1;
	[dreg:$0x2] =	wrdreg s2  }
0xa9: {  	[dreg:$0x3] =	wrdreg s4  }
0xaa: {  	[dreg:$0x4] =	wrdreg $0xC0  }
0xab: {  	_ =	task [dreg:s6], $0x5FFFF  }
0xac: {  	[dreg:$0x1] =	wrdreg $0xFFFFFFFF  }
0xad: {  	[dreg:$0x0] =	wrdreg $0x60  }
0xae: {  	[dreg:$0x2] =	wrdreg s24  }
0xaf: {  	[dreg:$0x3] =	wrdreg $0x9  }
0xb0: {  	_ =	task.clear_ibuf [dreg:s6], $0x4FFFF;
	_ =	strace $0x90000046  }
0xb1: {  	s29 =	simm.s32 $0x9;
	_ =	strace $0x80000048  }
0xb2: {  	_ =	swait.ge [sflag:s29], $0x1  }
0xb3: {  	[sflag:s29] =	ssyncadd.s32 $0xFFFFFFFF  }
0xb4: {  	_ =	strace $0x90000048  }
0xb5: {  	_ =	sfence  }
0xb6: {  	s30 =	sld [smem:$0x0];
	_ =	sdelay $0x2  }
0xb7: {  	s31 =	sshll.u32 s1, $0xD;
	s1 =	sshrl.u32 s1, $0x2  }
0xb8: {  	s3 =	sand.u32 $0x4000, s31;
	s1 =	sadd.s32 s1, s30  }
0xb9: {  	s0 =	sor.u32 s3, s0;
	s1 =	sshll.u32 s1, $0x11  }
0xba: {  	s0 =	sor.u32 s1, s0  }
0xbb: {  	s0 =	sadd.s32 $0x8F2B, s0  }
0xbc: {  	[sflag:s0] =	ssyncadd.remote.s32 $0x1  }
0xbd: {  	_ =	sfence.sel $0xFFFF  }
0xbe: {  	[dreg:$0x0] =	wrdreg $0xFFFFFFFF;
	(pc) =	sbr.abs _section_cstart, $3  }
0xbf: {  	[dreg:$0x1] =	wrdreg $0xFFFFFFFF  }
0xc0: {  	_ =	task.clear_ibuf [dreg:s6], $0x2FFFF;
	_ =	strace $0x9FFFFFFF  }
0xc1: {  	(tm) =	ssettm $0x7FFFFFFF  }
tec
execute0_lowered:
.L_overlay_start_1:
0x0: {  	(tag) =	ssettag $0x1  }
0x1: {  	s1 =	srdreg.scid  }
0x2: {  	s0 =	stileid.u32;
	s5 =	rddreg [dreg:$0x0]  }
0x3: {  	s2 =	simm.s32 $0x0;
	s10 =	simm.s32 $0x640;
	s11 =	simm.s32 $0x7080  }
0x4: {  	s12 =	simm.s32 $0x1;
	s13 =	simm.s32 $0xC80;
	s14 =	simm.s32 $0x7468  }
0x5: {  	s4 =	sand.u32 $0x1, s1;
	s3 =	sshll.u32 s0, $0x1;
	s1 =	rddreg [dreg:$0x1]  }
0x6: {  	s15 =	simm.s32 $0x0;
	[smem:$0x7FF] =	sst s2;
	s6 =	sor.u32 s4, s3  }
0x7: {  	_ =	strace $0x80000047;
	s8 =	ssub.s32 $0x2, s4;
	s7 =	smul.u32 $0xC8, s6  }
0x8: {  	s3 =	sadd.s32 $0xE00, s5;
	s4 =	sadd.s32 $0xC00, s5;
	s31 =	sshrl.u32 s8, $0x1  }
0x9: {  	s6 =	sshll.u32 s6, $0x1;
	s8 =	ssub.s32 s8, s31;
	s7 =	sadd.s32 s7, s5  }
0xa: {  	v0 =	vlaneseq.u32;
	s9 =	sadd.s32 s6, s5;
	s8 =	smax.u32 s8, $0x1;
	s5 =	sadd.s32 $0x21200, s7  }
0xb: {  	vm0 =	vmmov $0xffff;
	v0 =	vmul.u32 $0x10, v0;
	s6 =	sadd.s32 $0x1F800, s7;
	s7 =	sadd.s32 $0x22C00, s9;
	s9 =	simm.s32 $0x2  }
.LBB2_1:
0xc: {  	[tilespmem:s2], [sflag:$0x2] =	stream.linear.gather [hbm4b:s5+s2], $0x640, $0x38;
	[tilespmem:$0x7478] =	vst v63  }
0xd: {  	_ =	swait.ge [sflag:s9], $0x640  }
0xe: {  	[sflag:s9] =	ssyncset.done $0x0  }
0xf: {  	[sflag:s9] =	ssyncadd.s32 $0xFFFFF9C0  }
0x10: {  	[tilespmem:s10], [sflag:$0x2] =	stream.linear.gather [hbm4b:s6+s2], $0x640, $0x38;
	[tilespmem:$0x7478] =	vst v63  }
0x11: {  	_ =	swait.ge [sflag:s9], $0x640  }
0x12: {  	[sflag:s9] =	ssyncset.done $0x0  }
0x13: {  	[sflag:s9] =	ssyncadd.s32 $0xFFFFF9C0  }
0x14: {  	[tilespmem:s11], [sflag:$0x2] =	stream.linear.gather [hbm4b:s4+s2], $0x3E8, $0x38;
	[tilespmem:$0x7478] =	vst v63  }
0x15: {  	_ =	swait.ge [sflag:s9], $0x3E8  }
0x16: {  	[sflag:s9] =	ssyncset.done $0x0  }
0x17: {  	s16 =	simm.s32 $0xC80;
	s17 =	simm.s32 $0x0;
	[sflag:s9] =	ssyncadd.s32 $0xFFFFFC18  }
.LBB2_2:
0x18: {  	s19 =	sshra.s32 s17, $0x2  }
0x19: {  	v1 =	vld [tilespmem:s19+$0x0];
	_ =	sdelay $0x1  }
0x1a: {  	v2 =	vld [tilespmem:s19+$0x640];
	_ =	sdelay $0x2  }
0x1b: {  	v1 =	vmul.u32 $0x3E8, v1;
	_ =	sdelay $0x1  }
0x1c: {  	v1 =	vadd.s32 v2, v1  }
0x1d: {  	v1 =	vshrl.u32 v1, $0x4;
	_ =	sdelay $0x3  }
0x1e: {  	s18 =	simm.s32 $0x0  }
0x1f: {  	[tilespmem:s16], [sflag:$0x1] =	stream.indirect_vreg.gather [hbm4b:s3+s18], $0x10, v1, vm0, $0xb8;
	[tilespmem:$0x7478] =	vst v63  }
0x20: {  	v1 =	vld [tilespmem:s19+$0x10];
	_ =	sdelay $0x1  }
0x21: {  	v2 =	vld [tilespmem:s19+$0x650];
	_ =	sdelay $0x2  }
0x22: {  	v1 =	vmul.u32 $0x3E8, v1;
	_ =	sdelay $0x1  }
0x23: {  	v1 =	vadd.s32 v2, v1  }
0x24: {  	v1 =	vshrl.u32 v1, $0x4;
	_ =	sdelay $0x3  }
0x25: {  	s31 =	sadd.s32 $0x100, s16  }
0x26: {  	[tilespmem:s31], [sflag:$0x1] =	stream.indirect_vreg.gather [hbm4b:s3+s18], $0x10, v1, vm0, $0xb8;
	[tilespmem:$0x7478] =	vst v63  }
0x27: {  	p0 =	sne.s32 s17, $0x1880;
	_ =	swait.ge [sflag:s12], $0x100  }
.Ltmp0:
0x28: {  	[sflag:s12] =	ssyncset.done $0x0;
	(pc) =	sbr.rel @p0 .LBB2_2-.Ltmp0, $4  }
0x29: {  	[sflag:s12] =	ssyncadd.s32 $0xFFFFFF00  }
0x2a: {  	_ =	swait.ge [sflag:s12], $0x100  }
0x2b: {  	[sflag:s12] =	ssyncset.done $0x0  }
0x2c: {  	s17 =	sadd.s32 $0x80, s17;
	s16 =	sadd.s32 $0x200, s16;
	[sflag:s12] =	ssyncadd.s32 $0xFFFFFF00  }
0x2d: {  	s16 =	simm.s32 $0x640;
	v2 =	vld [tilespmem:s18+$0x0]  }
0x2e: {  	v3 =	vld [tilespmem:s16+$0x0];
	_ =	sdelay $0x3  }
0x2f: {  	v1 =	vmov s18;
	v4 =	vshll.u32 v2, $0x3  }
0x30: {  	s31 =	simm.s32 $0x10;
	v1 =	vshll.u32 v1, $0x4;
	v4 =	vadd.s32 v4, v3  }
0x31: {  	s17 =	simm.s32 $0x650;
	v5 =	vor.u32 v0, v1;
	v1 =	vld [tilespmem:s31+$0x0];
	v4 =	vand.u32 $0x8, v4  }
0x32: {  	v6 =	vld [tilespmem:s17+$0x0];
	v3 =	vand.u32 $0x7, v3;
	v4 =	vor.u32 v5, v4  }
0x33: {  	v3 =	vor.u32 v3, v4;
	_ =	sdelay $0x2  }
0x34: {  	v5 =	vshll.u32 v1, $0x3;
	v4 =	vmov s31  }
0x35: {  	v2 =	vld.idx.msk [tilespmem:v2+s11+$0x0], $0xffff;
	v5 =	vadd.s32 v5, v6;
	v7 =	vshll.u32 v4, $0x4  }
0x36: {  	s16 =	simm.s32 $0x20;
	v8 =	vand.u32 $0x8, v5;
	v7 =	vor.u32 v0, v7;
	v4 =	vld.idx.msk [tilespmem:v3+s13+$0x0], $0xffff  }
0x37: {  	s18 =	simm.s32 $0x660;
	s19 =	simm.s32 $0x20;
	s17 =	simm.s32 $0x30;
	v6 =	vand.u32 $0x7, v6;
	v5 =	vld [tilespmem:s16+$0x0];
	v7 =	vor.u32 v7, v8;
	v3 =	vimm.f32 $0.0e+00  }
.LBB2_4:
0x38: {  	p0 =	sne.s32 s17, $0x630;
	v8 =	vld [tilespmem:s18+$0x0];
	v6 =	vor.u32 v6, v7;
	_ =	sdelay $0x2  }
.Ltmp1:
0x39: {  	v7 =	vsub.f32 v2, v4;
	(pc) =	sbr.rel @p0 .LBB2_4-.Ltmp1, $4  }
0x3a: {  	v4 =	vmov s16;
	s16 =	smov.u32 s17;
	v9 =	vshll.u32 v5, $0x3;
	v2 =	vld.idx.msk [tilespmem:v1+s11+$0x0], $0xffff;
	v1 =	vmov v5  }
0x3b: {  	v5 =	vshll.u32 v4, $0x4;
	v3 =	vadd.f32 v7, v3;
	v9 =	vadd.s32 v9, v8;
	v4 =	vld.idx.msk [tilespmem:v6+s13+$0x0], $0xffff  }
0x3c: {  	s19 =	sadd.s32 $0x10, s19;
	v7 =	vor.u32 v0, v5;
	v9 =	vand.u32 $0x8, v9  }
0x3d: {  	s18 =	sadd.s32 $0x10, s18;
	s17 =	sadd.s32 $0x10, s17;
	v6 =	vand.u32 $0x7, v8;
	v5 =	vld [tilespmem:s19+$0x0];
	v7 =	vor.u32 v7, v9  }
0x3e: {  	v8 =	vld [tilespmem:s18+$0x0];
	_ =	sdelay $0x3  }
0x3f: {  	v9 =	vmov s16;
	v10 =	vshll.u32 v5, $0x3  }
0x40: {  	v9 =	vshll.u32 v9, $0x4;
	v10 =	vadd.s32 v10, v8  }
0x41: {  	v6 =	vor.u32 v6, v7;
	v61 =	vor.u32 v0, v9;
	v62 =	vand.u32 $0x8, v10  }
0x42: {  	v8 =	vand.u32 $0x7, v8;
	v7 =	vor.u32 v61, v62  }
0x43: {  	v7 =	vor.u32 v8, v7;
	_ =	sdelay $0x1  }
0x44: {  	v1 =	vld.idx.msk [tilespmem:v1+s11+$0x0], $0xffff  }
0x45: {  	v6 =	vld.idx.msk [tilespmem:v6+s13+$0x0], $0xffff  }
0x46: {  	v63 =	vld.idx.msk [tilespmem:v5+s11+$0x0], $0xffff  }
0x47: {  	v7 =	vld.idx.msk [tilespmem:v7+s13+$0x0], $0xffff  }
0x48: {  	v2 =	vsub.f32 v2, v4;
	_ =	sdelay $0x1  }
0x49: {  	v2 =	vadd.f32 v2, v3;
	v1 =	vsub.f32 v1, v6;
	_ =	sdelay $0x1  }
0x4a: {  	v1 =	vadd.f32 v1, v2;
	v2 =	vsub.f32 v63, v7;
	_ =	sdelay $0x1  }
0x4b: {  	s15 =	sadd.s32 $0x1, s15;
	v1 =	vadd.f32 v2, v1  }
0x4c: {  	p0 =	sne.s32 s15, s8  }
.Ltmp2:
0x4d: {  	[tilespmem:$0x7468] =	vst v1;
	(pc) =	sbr.rel @p0 .LBB2_1-.Ltmp2, $4  }
0x4e: {  	[hbm4b:s7+s2] =	stream.linear.scatter [tilespmem:s14], [sflag:$0x2], $0x10, $0x38;
	[tilespmem:$0x7478] =	vst v63  }
0x4f: {  	_ =	swait.ge [sflag:s9], $0x10  }
0x50: {  	[sflag:s9] =	ssyncset.done $0x0  }
0x51: {  	[sflag:s9] =	ssyncadd.s32 $0xFFFFFFF0  }
0x52: {  	_ =	sfence.sel $0x180000  }
0x53: {  	[bflag:$0x0] =	sbarrier.arrive $0xFFFF  }
0x54: {  	p0 =	sne.s32 s0, $0x0;
	_ =	strace $0x90000047  }
0x55: {  	s0 =	sadd.s32 @!p0 $0x100000, s1;
	[bflag:$0x2] =	sbarrier.arrive $0xFFFF  }
0x56: {  	[sflag:s0] =	ssyncadd.tile.s32 @!p0 $0x1;
	_ =	shalt  }
.Lfunc_end2:
_tile_overlayer_lowered:
.L_overlay_start_2:
0x57: {  	(tag) =	ssettag $0x2  }
0x58: {  	s0 =	rddreg [dreg:$0x0];
	s2 =	stileid.u32  }
0x59: {  	s1 =	rddreg [dreg:$0x1];
	p0 =	sne.s32 s2, $0x0  }
0x5a: {  	s3 =	rddreg [dreg:$0x2];
	[bflag:$0x3] =	sbarrier.arrive $0xFFFF;
	s2 =	simm.s32 @!p0 $0x1C02  }
0x5b: {  	[timem:s3], [sflag:s2] =	dma.local @!p0 [hbm:s0], s1  }
0x5c: {  	s0 =	simm.s32 @!p0 $0x2  }
0x5d: {  	_ =	swait.ge @!p0 [sflag:s0], s1  }
0x5e: {  	s1 =	ssub.s32 @!p0 $0x0, s1;
	[sflag:s0] =	ssyncset.done @!p0 $0x0  }
0x5f: {  	[sflag:s0] =	ssyncadd.s32 @!p0 s1  }
0x60: {  	[bflag:$0x3] =	sbarrier.arrive $0xFFFF  }
0x61: {  	_ =	shalt  }

</sc_bundles>
